<compile_context>
chip_gen: v7x
topology: tpu7x:2x2x1
jax: 0.10.2.dev20260603
libtpu: 0.0.44.dev20260713+nightly
codegen_flags: <defaults>
</compile_context>

<pallas_src>
import functools

import jax
import jax.numpy as jnp
from jax import lax
from jax.experimental import pallas as pl
from jax.experimental.pallas import tpu as pltpu
from jax.experimental.pallas import tpu_sc as plsc

_N = 10000
_IN = 128
_OUT = 128


_MM_BLK = 5000


def _mm_body(x_ref, w_ref, o_ref):
    o_ref[...] = jnp.dot(x_ref[...], w_ref[...],
                         preferred_element_type=jnp.float32)


def _matmul(x, weight):
    n, cin = x.shape
    cout = weight.shape[1]
    return pl.pallas_call(
        _mm_body,
        out_shape=jax.ShapeDtypeStruct((n, cout), jnp.float32),
        grid=(n // _MM_BLK,),
        in_specs=[
            pl.BlockSpec((_MM_BLK, cin), lambda i: (i, 0)),
            pl.BlockSpec((cin, cout), lambda i: (0, 0)),
        ],
        out_specs=pl.BlockSpec((_MM_BLK, cout), lambda i: (i, 0)),
    )(x, weight)



_INFO = plsc.get_sparse_core_info()
_NS = _INFO.num_subcores
_NW = _NS
_B_PER_W = 640
_CHUNKS = ((0, 128), (128, 128), (256, 128), (384, 128), (512, 128))

_SC_MESH = plsc.VectorSubcoreMesh(core_axis_name="c", subcore_axis_name="s", num_cores=1)


@functools.partial(
    pl.kernel,
    mesh=_SC_MESH,
    out_type=jax.ShapeDtypeStruct((_N, _OUT), jnp.float32),
    scratch_types=[
        pltpu.VMEM((_B_PER_W,), jnp.int32),
        pltpu.VMEM((_B_PER_W, _OUT), jnp.float32),
        pltpu.SemaphoreType.DMA,
        pltpu.SemaphoreType.DMA,
    ],
)
def _sc_gather(table_hbm, idx_hbm, out_hbm, idx_v, rows_v, gsem, ssem):
    wid = lax.axis_index("s") + lax.axis_index("c")
    base = lax.min(wid * _B_PER_W, _N - _B_PER_W)
    pltpu.sync_copy(idx_hbm.at[pl.ds(base, _B_PER_W)], idx_v)
    gathers = [
        pltpu.async_copy(
            table_hbm.at[idx_v.at[pl.ds(off, sz)]],
            rows_v.at[pl.ds(off, sz)],
            gsem,
        )
        for off, sz in _CHUNKS
    ]
    writes = []
    for (off, sz), g in zip(_CHUNKS, gathers):
        g.wait()
        writes.append(
            pltpu.async_copy(
                rows_v.at[pl.ds(off, sz)],
                out_hbm.at[pl.ds(base + off, sz)],
                ssem,
            )
        )
    for w in writes:
        w.wait()




def kernel(x, edge_index, weight, attn_l, attn_r):
    del attn_l, attn_r
    xw = _matmul(x, weight)
    idx = edge_index[1, :_N].astype(jnp.int32)
    return _sc_gather(xw, idx)

# --- scband reference (transcript-rebuilt; emitter-appended) ---
"""Pipeline reference for scband-gatfeature-propagation-74431783240401 (READ-ONLY COPY).

The authoritative reference and input builder live on the scoring server;
editing this copy changes nothing except your own understanding.
"""

import jax, jax.numpy as jnp
import numpy as np

N_NODES = 10000
N_EDGES = 320000
IN_CH = 128
OUT_CH = 128
HEADS = 1


def setup_inputs(seed: int = 0) -> dict:
    key = jax.random.key(seed)
    k1, k2, k3, k4, k5 = jax.random.split(key, 5)
    x = jax.random.normal(k1, (N_NODES, IN_CH), dtype=jnp.float32)
    edge_index = jax.random.randint(k2, (2, N_EDGES), 0, N_NODES, dtype=jnp.int64)
    # xavier_uniform-style init for parameters
    limit_w = float(np.sqrt(6.0 / (IN_CH + HEADS * OUT_CH)))
    weight = jax.random.uniform(k3, (IN_CH, HEADS * OUT_CH), dtype=jnp.float32, minval=-limit_w, maxval=limit_w)
    limit_a = float(np.sqrt(6.0 / (HEADS + OUT_CH)))
    attn_l = jax.random.uniform(k4, (HEADS, OUT_CH), dtype=jnp.float32, minval=-limit_a, maxval=limit_a)
    attn_r = jax.random.uniform(k5, (HEADS, OUT_CH), dtype=jnp.float32, minval=-limit_a, maxval=limit_a)
    return {"x": x, "edge_index": edge_index, "weight": weight, "attn_l": attn_l, "attn_r": attn_r}


def reference(x, edge_index, weight, attn_l, attn_r):
    heads, out_ch = attn_l.shape
    xw = jnp.matmul(x, weight).reshape(-1, heads, out_ch)  # [N, H, C]
    row = edge_index[0]
    col = edge_index[1]
    alpha_l = (xw[row] * attn_l).sum(axis=-1)  # [E, H]
    alpha_r = (xw[col] * attn_r).sum(axis=-1)  # [E, H]
    alpha = jax.nn.leaky_relu(alpha_l + alpha_r, negative_slope=0.01)
    alpha = jax.nn.softmax(alpha, axis=1)  # softmax over heads dim, matching F.softmax(dim=1)
    n = xw.shape[0]
    # Faithful vectorization of: for i in range(N): out[i] = sum(alpha[i][:,None] * xw[col[i]], dim=0)
    a_n = alpha[:n]                      # [N, H]
    xc = xw[col[:n]]                     # [N, H, C]
    vec = (a_n[:, :, None] * xc).sum(axis=1)  # [N, C]
    out = jnp.broadcast_to(vec[:, None, :], (n, heads, out_ch))
    # concat=True branch
    return out.reshape(-1, heads * out_ch)

if __name__ == "__main__":
    import jax
    _d = setup_inputs()
    print(jax.jit(kernel)(*tuple(_d.values())))

</pallas_src>

<mosaic_0001>
#map = affine_map<(d0, d1) -> (0, 0)>
#map1 = affine_map<(d0, d1) -> (0)>
module attributes {stable_mosaic.version = 14 : i64} {
  func.func @_sc_gather(%arg0: i32, %arg1: i32, %arg2: memref<10000x128xf32, #tpu.memory_space<hbm>>, %arg3: memref<10000xi32, #tpu.memory_space<hbm>>, %arg4: memref<10000x128xf32, #tpu.memory_space<hbm>>, %arg5: memref<640xi32, #tpu.memory_space<vmem>>, %arg6: memref<640x128xf32, #tpu.memory_space<vmem>>, %arg7: memref<!tpu.dma_semaphore, #tpu.memory_space<semaphore_mem>>, %arg8: memref<!tpu.dma_semaphore, #tpu.memory_space<semaphore_mem>>) attributes {dimension_semantics = [#tpu.dimension_semantics<core_parallel>, #tpu.dimension_semantics<subcore_parallel>], iteration_bounds = array<i64: 1, 16>, scalar_prefetch = 0 : i64, scratch_operands = 4 : i64, tpu.core_type = #tpu.core_type<sc_vector_subcore>, window_params = [{transform_indices = #map}, {transform_indices = #map1}, {transform_indices = #map}]} {
    %add3A = arith.addi %arg1, %arg0 : i32
    %mul3A = arith.constant 640 : i32
    %mul3A_0 = arith.muli %add3A, %mul3A : i32
    %min3A = arith.constant 9360 : i32
    %min3A_1 = arith.minsi %mul3A_0, %min3A : i32
    "tpu.region"() ({
      %run_scoped3A = tpu.sem_alloc : memref<!tpu.dma_semaphore, #tpu.memory_space<semaphore_mem>>
      %dma_start3A_190 = tpu.memref_slice %arg3[%min3A_1] : memref<10000xi32, #tpu.memory_space<hbm>> -> memref<640xi32, #tpu.memory_space<hbm>>
      %dma_start3A_191 = tpu.memref_slice %arg3[%min3A_1] : memref<10000xi32, #tpu.memory_space<hbm>> -> memref<640xi32, #tpu.memory_space<hbm>>
      tpu.enqueue_dma source(%dma_start3A_191 : memref<640xi32, #tpu.memory_space<hbm>>) target(%arg5 : memref<640xi32, #tpu.memory_space<vmem>>) target_semaphore(%run_scoped3A : memref<!tpu.dma_semaphore, #tpu.memory_space<semaphore_mem>>)
      %dma_wait3A_192 = tpu.memref_slice %arg3[%min3A_1] : memref<10000xi32, #tpu.memory_space<hbm>> -> memref<640xi32, #tpu.memory_space<hbm>>
      %dma_wait3A_193 = tpu.memref_slice %arg3[%min3A_1] : memref<10000xi32, #tpu.memory_space<hbm>> -> memref<640xi32, #tpu.memory_space<hbm>>
      tpu.wait_dma2 semaphore(%run_scoped3A : memref<!tpu.dma_semaphore, #tpu.memory_space<semaphore_mem>>) src(%dma_wait3A_193 : memref<640xi32, #tpu.memory_space<hbm>>) dst(%arg5 : memref<640xi32, #tpu.memory_space<vmem>>)
      tpu.yield
    }) : () -> ()
    %dma_start3A = arith.constant 0 : i32
    %dma_start3A_2 = arith.constant 0 : i32
    %dma_start3A_3 = tpu.memref_slice %arg6[%dma_start3A, %dma_start3A_2] : memref<640x128xf32, #tpu.memory_space<vmem>> -> memref<128x128xf32, #tpu.memory_space<vmem>>
    %dma_start3A_4 = arith.constant 0 : i32
    %dma_start3A_5 = tpu.memref_slice %arg5[%dma_start3A_4] : memref<640xi32, #tpu.memory_space<vmem>> -> memref<128xi32, #tpu.memory_space<vmem>>
    %dma_start3A_6 = arith.constant 0 : i32
    %dma_start3A_7 = arith.constant 0 : i32
    %dma_start3A_8 = tpu.memref_slice %arg2[%dma_start3A_6, %dma_start3A_7] : memref<10000x128xf32, #tpu.memory_space<hbm>> -> memref<10000x128xf32, #tpu.memory_space<hbm>>
    tpu.enqueue_indirect_dma source(%dma_start3A_8 : memref<10000x128xf32, #tpu.memory_space<hbm>>) target(%dma_start3A_3 : memref<128x128xf32, #tpu.memory_space<vmem>>) offsets(%dma_start3A_5 : memref<128xi32, #tpu.memory_space<vmem>>) semaphore(%arg7 : memref<!tpu.dma_semaphore, #tpu.memory_space<semaphore_mem>>)
    %dma_start3A_9 = arith.constant 128 : i32
    %dma_start3A_10 = arith.constant 0 : i32
    %dma_start3A_11 = tpu.memref_slice %arg6[%dma_start3A_9, %dma_start3A_10] : memref<640x128xf32, #tpu.memory_space<vmem>> -> memref<128x128xf32, #tpu.memory_space<vmem>>
    %dma_start3A_12 = arith.constant 128 : i32
    %dma_start3A_13 = tpu.memref_slice %arg5[%dma_start3A_12] : memref<640xi32, #tpu.memory_space<vmem>> -> memref<128xi32, #tpu.memory_space<vmem>>
    %dma_start3A_14 = arith.constant 0 : i32
    %dma_start3A_15 = arith.constant 0 : i32
    %dma_start3A_16 = tpu.memref_slice %arg2[%dma_start3A_14, %dma_start3A_15] : memref<10000x128xf32, #tpu.memory_space<hbm>> -> memref<10000x128xf32, #tpu.memory_space<hbm>>
    tpu.enqueue_indirect_dma source(%dma_start3A_16 : memref<10000x128xf32, #tpu.memory_space<hbm>>) target(%dma_start3A_11 : memref<128x128xf32, #tpu.memory_space<vmem>>) offsets(%dma_start3A_13 : memref<128xi32, #tpu.memory_space<vmem>>) semaphore(%arg7 : memref<!tpu.dma_semaphore, #tpu.memory_space<semaphore_mem>>)
    %dma_start3A_17 = arith.constant 256 : i32
    %dma_start3A_18 = arith.constant 0 : i32
    %dma_start3A_19 = tpu.memref_slice %arg6[%dma_start3A_17, %dma_start3A_18] : memref<640x128xf32, #tpu.memory_space<vmem>> -> memref<128x128xf32, #tpu.memory_space<vmem>>
    %dma_start3A_20 = arith.constant 256 : i32
    %dma_start3A_21 = tpu.memref_slice %arg5[%dma_start3A_20] : memref<640xi32, #tpu.memory_space<vmem>> -> memref<128xi32, #tpu.memory_space<vmem>>
    %dma_start3A_22 = arith.constant 0 : i32
    %dma_start3A_23 = arith.constant 0 : i32
    %dma_start3A_24 = tpu.memref_slice %arg2[%dma_start3A_22, %dma_start3A_23] : memref<10000x128xf32, #tpu.memory_space<hbm>> -> memref<10000x128xf32, #tpu.memory_space<hbm>>
    tpu.enqueue_indirect_dma source(%dma_start3A_24 : memref<10000x128xf32, #tpu.memory_space<hbm>>) target(%dma_start3A_19 : memref<128x128xf32, #tpu.memory_space<vmem>>) offsets(%dma_start3A_21 : memref<128xi32, #tpu.memory_space<vmem>>) semaphore(%arg7 : memref<!tpu.dma_semaphore, #tpu.memory_space<semaphore_mem>>)
    %dma_start3A_25 = arith.constant 384 : i32
    %dma_start3A_26 = arith.constant 0 : i32
    %dma_start3A_27 = tpu.memref_slice %arg6[%dma_start3A_25, %dma_start3A_26] : memref<640x128xf32, #tpu.memory_space<vmem>> -> memref<128x128xf32, #tpu.memory_space<vmem>>
    %dma_start3A_28 = arith.constant 384 : i32
    %dma_start3A_29 = tpu.memref_slice %arg5[%dma_start3A_28] : memref<640xi32, #tpu.memory_space<vmem>> -> memref<128xi32, #tpu.memory_space<vmem>>
    %dma_start3A_30 = arith.constant 0 : i32
    %dma_start3A_31 = arith.constant 0 : i32
    %dma_start3A_32 = tpu.memref_slice %arg2[%dma_start3A_30, %dma_start3A_31] : memref<10000x128xf32, #tpu.memory_space<hbm>> -> memref<10000x128xf32, #tpu.memory_space<hbm>>
    tpu.enqueue_indirect_dma source(%dma_start3A_32 : memref<10000x128xf32, #tpu.memory_space<hbm>>) target(%dma_start3A_27 : memref<128x128xf32, #tpu.memory_space<vmem>>) offsets(%dma_start3A_29 : memref<128xi32, #tpu.memory_space<vmem>>) semaphore(%arg7 : memref<!tpu.dma_semaphore, #tpu.memory_space<semaphore_mem>>)
    %dma_start3A_33 = arith.constant 512 : i32
    %dma_start3A_34 = arith.constant 0 : i32
    %dma_start3A_35 = tpu.memref_slice %arg6[%dma_start3A_33, %dma_start3A_34] : memref<640x128xf32, #tpu.memory_space<vmem>> -> memref<128x128xf32, #tpu.memory_space<vmem>>
    %dma_start3A_36 = arith.constant 512 : i32
    %dma_start3A_37 = tpu.memref_slice %arg5[%dma_start3A_36] : memref<640xi32, #tpu.memory_space<vmem>> -> memref<128xi32, #tpu.memory_space<vmem>>
    %dma_start3A_38 = arith.constant 0 : i32
    %dma_start3A_39 = arith.constant 0 : i32
    %dma_start3A_40 = tpu.memref_slice %arg2[%dma_start3A_38, %dma_start3A_39] : memref<10000x128xf32, #tpu.memory_space<hbm>> -> memref<10000x128xf32, #tpu.memory_space<hbm>>
    tpu.enqueue_indirect_dma source(%dma_start3A_40 : memref<10000x128xf32, #tpu.memory_space<hbm>>) target(%dma_start3A_35 : memref<128x128xf32, #tpu.memory_space<vmem>>) offsets(%dma_start3A_37 : memref<128xi32, #tpu.memory_space<vmem>>) semaphore(%arg7 : memref<!tpu.dma_semaphore, #tpu.memory_space<semaphore_mem>>)
    %dma_wait3A = arith.constant 0 : i32
    %dma_wait3A_41 = arith.constant 0 : i32
    %dma_wait3A_42 = tpu.memref_slice %arg6[%dma_wait3A, %dma_wait3A_41] : memref<640x128xf32, #tpu.memory_space<vmem>> -> memref<128x128xf32, #tpu.memory_space<vmem>>
    %dma_wait3A_43 = arith.constant 0 : i32
    %dma_wait3A_44 = tpu.memref_slice %arg5[%dma_wait3A_43] : memref<640xi32, #tpu.memory_space<vmem>> -> memref<128xi32, #tpu.memory_space<vmem>>
    %dma_wait3A_45 = arith.constant 0 : i32
    %dma_wait3A_46 = arith.constant 0 : i32
    %dma_wait3A_47 = tpu.memref_slice %arg2[%dma_wait3A_45, %dma_wait3A_46] : memref<10000x128xf32, #tpu.memory_space<hbm>> -> memref<10000x128xf32, #tpu.memory_space<hbm>>
    tpu.wait_indirect_dma semaphore(%arg7 : memref<!tpu.dma_semaphore, #tpu.memory_space<semaphore_mem>>) src(%dma_wait3A_47 : memref<10000x128xf32, #tpu.memory_space<hbm>>) dst(%dma_wait3A_42 : memref<128x128xf32, #tpu.memory_space<vmem>>)
    %add3A_48 = arith.constant 0 : i32
    %add3A_49 = arith.addi %min3A_1, %add3A_48 : i32
    %dma_start3A_50 = arith.constant 0 : i32
    %dma_start3A_51 = arith.constant 0 : i32
    %dma_start3A_52 = tpu.memref_slice %arg6[%dma_start3A_50, %dma_start3A_51] : memref<640x128xf32, #tpu.memory_space<vmem>> -> memref<128x128xf32, #tpu.memory_space<vmem>>
    %dma_start3A_53 = arith.constant 0 : i32
    %dma_start3A_54 = tpu.memref_slice %arg4[%add3A_49, %dma_start3A_53] : memref<10000x128xf32, #tpu.memory_space<hbm>> -> memref<128x128xf32, #tpu.memory_space<hbm>>
    %dma_start3A_55 = arith.constant 0 : i32
    %dma_start3A_56 = tpu.memref_slice %arg4[%add3A_49, %dma_start3A_55] : memref<10000x128xf32, #tpu.memory_space<hbm>> -> memref<128x128xf32, #tpu.memory_space<hbm>>
    %dma_start3A_57 = arith.constant 0 : i32
    %dma_start3A_58 = arith.constant 0 : i32
    %dma_start3A_59 = tpu.memref_slice %arg6[%dma_start3A_57, %dma_start3A_58] : memref<640x128xf32, #tpu.memory_space<vmem>> -> memref<128x128xf32, #tpu.memory_space<vmem>>
    tpu.enqueue_dma source(%dma_start3A_59 : memref<128x128xf32, #tpu.memory_space<vmem>>) target(%dma_start3A_56 : memref<128x128xf32, #tpu.memory_space<hbm>>) target_semaphore(%arg8 : memref<!tpu.dma_semaphore, #tpu.memory_space<semaphore_mem>>)
    %dma_wait3A_60 = arith.constant 128 : i32
    %dma_wait3A_61 = arith.constant 0 : i32
    %dma_wait3A_62 = tpu.memref_slice %arg6[%dma_wait3A_60, %dma_wait3A_61] : memref<640x128xf32, #tpu.memory_space<vmem>> -> memref<128x128xf32, #tpu.memory_space<vmem>>
    %dma_wait3A_63 = arith.constant 128 : i32
    %dma_wait3A_64 = tpu.memref_slice %arg5[%dma_wait3A_63] : memref<640xi32, #tpu.memory_space<vmem>> -> memref<128xi32, #tpu.memory_space<vmem>>
    %dma_wait3A_65 = arith.constant 0 : i32
    %dma_wait3A_66 = arith.constant 0 : i32
    %dma_wait3A_67 = tpu.memref_slice %arg2[%dma_wait3A_65, %dma_wait3A_66] : memref<10000x128xf32, #tpu.memory_space<hbm>> -> memref<10000x128xf32, #tpu.memory_space<hbm>>
    tpu.wait_indirect_dma semaphore(%arg7 : memref<!tpu.dma_semaphore, #tpu.memory_space<semaphore_mem>>) src(%dma_wait3A_67 : memref<10000x128xf32, #tpu.memory_space<hbm>>) dst(%dma_wait3A_62 : memref<128x128xf32, #tpu.memory_space<vmem>>)
    %add3A_68 = arith.constant 128 : i32
    %add3A_69 = arith.addi %min3A_1, %add3A_68 : i32
    %dma_start3A_70 = arith.constant 128 : i32
    %dma_start3A_71 = arith.constant 0 : i32
    %dma_start3A_72 = tpu.memref_slice %arg6[%dma_start3A_70, %dma_start3A_71] : memref<640x128xf32, #tpu.memory_space<vmem>> -> memref<128x128xf32, #tpu.memory_space<vmem>>
    %dma_start3A_73 = arith.constant 0 : i32
    %dma_start3A_74 = tpu.memref_slice %arg4[%add3A_69, %dma_start3A_73] : memref<10000x128xf32, #tpu.memory_space<hbm>> -> memref<128x128xf32, #tpu.memory_space<hbm>>
    %dma_start3A_75 = arith.constant 0 : i32
    %dma_start3A_76 = tpu.memref_slice %arg4[%add3A_69, %dma_start3A_75] : memref<10000x128xf32, #tpu.memory_space<hbm>> -> memref<128x128xf32, #tpu.memory_space<hbm>>
    %dma_start3A_77 = arith.constant 128 : i32
    %dma_start3A_78 = arith.constant 0 : i32
    %dma_start3A_79 = tpu.memref_slice %arg6[%dma_start3A_77, %dma_start3A_78] : memref<640x128xf32, #tpu.memory_space<vmem>> -> memref<128x128xf32, #tpu.memory_space<vmem>>
    tpu.enqueue_dma source(%dma_start3A_79 : memref<128x128xf32, #tpu.memory_space<vmem>>) target(%dma_start3A_76 : memref<128x128xf32, #tpu.memory_space<hbm>>) target_semaphore(%arg8 : memref<!tpu.dma_semaphore, #tpu.memory_space<semaphore_mem>>)
    %dma_wait3A_80 = arith.constant 256 : i32
    %dma_wait3A_81 = arith.constant 0 : i32
    %dma_wait3A_82 = tpu.memref_slice %arg6[%dma_wait3A_80, %dma_wait3A_81] : memref<640x128xf32, #tpu.memory_space<vmem>> -> memref<128x128xf32, #tpu.memory_space<vmem>>
    %dma_wait3A_83 = arith.constant 256 : i32
    %dma_wait3A_84 = tpu.memref_slice %arg5[%dma_wait3A_83] : memref<640xi32, #tpu.memory_space<vmem>> -> memref<128xi32, #tpu.memory_space<vmem>>
    %dma_wait3A_85 = arith.constant 0 : i32
    %dma_wait3A_86 = arith.constant 0 : i32
    %dma_wait3A_87 = tpu.memref_slice %arg2[%dma_wait3A_85, %dma_wait3A_86] : memref<10000x128xf32, #tpu.memory_space<hbm>> -> memref<10000x128xf32, #tpu.memory_space<hbm>>
    tpu.wait_indirect_dma semaphore(%arg7 : memref<!tpu.dma_semaphore, #tpu.memory_space<semaphore_mem>>) src(%dma_wait3A_87 : memref<10000x128xf32, #tpu.memory_space<hbm>>) dst(%dma_wait3A_82 : memref<128x128xf32, #tpu.memory_space<vmem>>)
    %add3A_88 = arith.constant 256 : i32
    %add3A_89 = arith.addi %min3A_1, %add3A_88 : i32
    %dma_start3A_90 = arith.constant 256 : i32
    %dma_start3A_91 = arith.constant 0 : i32
    %dma_start3A_92 = tpu.memref_slice %arg6[%dma_start3A_90, %dma_start3A_91] : memref<640x128xf32, #tpu.memory_space<vmem>> -> memref<128x128xf32, #tpu.memory_space<vmem>>
    %dma_start3A_93 = arith.constant 0 : i32
    %dma_start3A_94 = tpu.memref_slice %arg4[%add3A_89, %dma_start3A_93] : memref<10000x128xf32, #tpu.memory_space<hbm>> -> memref<128x128xf32, #tpu.memory_space<hbm>>
    %dma_start3A_95 = arith.constant 0 : i32
    %dma_start3A_96 = tpu.memref_slice %arg4[%add3A_89, %dma_start3A_95] : memref<10000x128xf32, #tpu.memory_space<hbm>> -> memref<128x128xf32, #tpu.memory_space<hbm>>
    %dma_start3A_97 = arith.constant 256 : i32
    %dma_start3A_98 = arith.constant 0 : i32
    %dma_start3A_99 = tpu.memref_slice %arg6[%dma_start3A_97, %dma_start3A_98] : memref<640x128xf32, #tpu.memory_space<vmem>> -> memref<128x128xf32, #tpu.memory_space<vmem>>
    tpu.enqueue_dma source(%dma_start3A_99 : memref<128x128xf32, #tpu.memory_space<vmem>>) target(%dma_start3A_96 : memref<128x128xf32, #tpu.memory_space<hbm>>) target_semaphore(%arg8 : memref<!tpu.dma_semaphore, #tpu.memory_space<semaphore_mem>>)
    %dma_wait3A_100 = arith.constant 384 : i32
    %dma_wait3A_101 = arith.constant 0 : i32
    %dma_wait3A_102 = tpu.memref_slice %arg6[%dma_wait3A_100, %dma_wait3A_101] : memref<640x128xf32, #tpu.memory_space<vmem>> -> memref<128x128xf32, #tpu.memory_space<vmem>>
    %dma_wait3A_103 = arith.constant 384 : i32
    %dma_wait3A_104 = tpu.memref_slice %arg5[%dma_wait3A_103] : memref<640xi32, #tpu.memory_space<vmem>> -> memref<128xi32, #tpu.memory_space<vmem>>
    %dma_wait3A_105 = arith.constant 0 : i32
    %dma_wait3A_106 = arith.constant 0 : i32
    %dma_wait3A_107 = tpu.memref_slice %arg2[%dma_wait3A_105, %dma_wait3A_106] : memref<10000x128xf32, #tpu.memory_space<hbm>> -> memref<10000x128xf32, #tpu.memory_space<hbm>>
    tpu.wait_indirect_dma semaphore(%arg7 : memref<!tpu.dma_semaphore, #tpu.memory_space<semaphore_mem>>) src(%dma_wait3A_107 : memref<10000x128xf32, #tpu.memory_space<hbm>>) dst(%dma_wait3A_102 : memref<128x128xf32, #tpu.memory_space<vmem>>)
    %add3A_108 = arith.constant 384 : i32
    %add3A_109 = arith.addi %min3A_1, %add3A_108 : i32
    %dma_start3A_110 = arith.constant 384 : i32
    %dma_start3A_111 = arith.constant 0 : i32
    %dma_start3A_112 = tpu.memref_slice %arg6[%dma_start3A_110, %dma_start3A_111] : memref<640x128xf32, #tpu.memory_space<vmem>> -> memref<128x128xf32, #tpu.memory_space<vmem>>
    %dma_start3A_113 = arith.constant 0 : i32
    %dma_start3A_114 = tpu.memref_slice %arg4[%add3A_109, %dma_start3A_113] : memref<10000x128xf32, #tpu.memory_space<hbm>> -> memref<128x128xf32, #tpu.memory_space<hbm>>
    %dma_start3A_115 = arith.constant 0 : i32
    %dma_start3A_116 = tpu.memref_slice %arg4[%add3A_109, %dma_start3A_115] : memref<10000x128xf32, #tpu.memory_space<hbm>> -> memref<128x128xf32, #tpu.memory_space<hbm>>
    %dma_start3A_117 = arith.constant 384 : i32
    %dma_start3A_118 = arith.constant 0 : i32
    %dma_start3A_119 = tpu.memref_slice %arg6[%dma_start3A_117, %dma_start3A_118] : memref<640x128xf32, #tpu.memory_space<vmem>> -> memref<128x128xf32, #tpu.memory_space<vmem>>
    tpu.enqueue_dma source(%dma_start3A_119 : memref<128x128xf32, #tpu.memory_space<vmem>>) target(%dma_start3A_116 : memref<128x128xf32, #tpu.memory_space<hbm>>) target_semaphore(%arg8 : memref<!tpu.dma_semaphore, #tpu.memory_space<semaphore_mem>>)
    %dma_wait3A_120 = arith.constant 512 : i32
    %dma_wait3A_121 = arith.constant 0 : i32
    %dma_wait3A_122 = tpu.memref_slice %arg6[%dma_wait3A_120, %dma_wait3A_121] : memref<640x128xf32, #tpu.memory_space<vmem>> -> memref<128x128xf32, #tpu.memory_space<vmem>>
    %dma_wait3A_123 = arith.constant 512 : i32
    %dma_wait3A_124 = tpu.memref_slice %arg5[%dma_wait3A_123] : memref<640xi32, #tpu.memory_space<vmem>> -> memref<128xi32, #tpu.memory_space<vmem>>
    %dma_wait3A_125 = arith.constant 0 : i32
    %dma_wait3A_126 = arith.constant 0 : i32
    %dma_wait3A_127 = tpu.memref_slice %arg2[%dma_wait3A_125, %dma_wait3A_126] : memref<10000x128xf32, #tpu.memory_space<hbm>> -> memref<10000x128xf32, #tpu.memory_space<hbm>>
    tpu.wait_indirect_dma semaphore(%arg7 : memref<!tpu.dma_semaphore, #tpu.memory_space<semaphore_mem>>) src(%dma_wait3A_127 : memref<10000x128xf32, #tpu.memory_space<hbm>>) dst(%dma_wait3A_122 : memref<128x128xf32, #tpu.memory_space<vmem>>)
    %add3A_128 = arith.constant 512 : i32
    %add3A_129 = arith.addi %min3A_1, %add3A_128 : i32
    %dma_start3A_130 = arith.constant 512 : i32
    %dma_start3A_131 = arith.constant 0 : i32
    %dma_start3A_132 = tpu.memref_slice %arg6[%dma_start3A_130, %dma_start3A_131] : memref<640x128xf32, #tpu.memory_space<vmem>> -> memref<128x128xf32, #tpu.memory_space<vmem>>
    %dma_start3A_133 = arith.constant 0 : i32
    %dma_start3A_134 = tpu.memref_slice %arg4[%add3A_129, %dma_start3A_133] : memref<10000x128xf32, #tpu.memory_space<hbm>> -> memref<128x128xf32, #tpu.memory_space<hbm>>
    %dma_start3A_135 = arith.constant 0 : i32
    %dma_start3A_136 = tpu.memref_slice %arg4[%add3A_129, %dma_start3A_135] : memref<10000x128xf32, #tpu.memory_space<hbm>> -> memref<128x128xf32, #tpu.memory_space<hbm>>
    %dma_start3A_137 = arith.constant 512 : i32
    %dma_start3A_138 = arith.constant 0 : i32
    %dma_start3A_139 = tpu.memref_slice %arg6[%dma_start3A_137, %dma_start3A_138] : memref<640x128xf32, #tpu.memory_space<vmem>> -> memref<128x128xf32, #tpu.memory_space<vmem>>
    tpu.enqueue_dma source(%dma_start3A_139 : memref<128x128xf32, #tpu.memory_space<vmem>>) target(%dma_start3A_136 : memref<128x128xf32, #tpu.memory_space<hbm>>) target_semaphore(%arg8 : memref<!tpu.dma_semaphore, #tpu.memory_space<semaphore_mem>>)
    %dma_wait3A_140 = arith.constant 0 : i32
    %dma_wait3A_141 = arith.constant 0 : i32
    %dma_wait3A_142 = tpu.memref_slice %arg6[%dma_wait3A_140, %dma_wait3A_141] : memref<640x128xf32, #tpu.memory_space<vmem>> -> memref<128x128xf32, #tpu.memory_space<vmem>>
    %dma_wait3A_143 = arith.constant 0 : i32
    %dma_wait3A_144 = tpu.memref_slice %arg4[%add3A_49, %dma_wait3A_143] : memref<10000x128xf32, #tpu.memory_space<hbm>> -> memref<128x128xf32, #tpu.memory_space<hbm>>
    %dma_wait3A_145 = arith.constant 0 : i32
    %dma_wait3A_146 = tpu.memref_slice %arg4[%add3A_49, %dma_wait3A_145] : memref<10000x128xf32, #tpu.memory_space<hbm>> -> memref<128x128xf32, #tpu.memory_space<hbm>>
    %dma_wait3A_147 = arith.constant 0 : i32
    %dma_wait3A_148 = arith.constant 0 : i32
    %dma_wait3A_149 = tpu.memref_slice %arg6[%dma_wait3A_147, %dma_wait3A_148] : memref<640x128xf32, #tpu.memory_space<vmem>> -> memref<128x128xf32, #tpu.memory_space<vmem>>
    tpu.wait_dma2 semaphore(%arg8 : memref<!tpu.dma_semaphore, #tpu.memory_space<semaphore_mem>>) src(%dma_wait3A_149 : memref<128x128xf32, #tpu.memory_space<vmem>>) dst(%dma_wait3A_146 : memref<128x128xf32, #tpu.memory_space<hbm>>)
    %dma_wait3A_150 = arith.constant 128 : i32
    %dma_wait3A_151 = arith.constant 0 : i32
    %dma_wait3A_152 = tpu.memref_slice %arg6[%dma_wait3A_150, %dma_wait3A_151] : memref<640x128xf32, #tpu.memory_space<vmem>> -> memref<128x128xf32, #tpu.memory_space<vmem>>
    %dma_wait3A_153 = arith.constant 0 : i32
    %dma_wait3A_154 = tpu.memref_slice %arg4[%add3A_69, %dma_wait3A_153] : memref<10000x128xf32, #tpu.memory_space<hbm>> -> memref<128x128xf32, #tpu.memory_space<hbm>>
    %dma_wait3A_155 = arith.constant 0 : i32
    %dma_wait3A_156 = tpu.memref_slice %arg4[%add3A_69, %dma_wait3A_155] : memref<10000x128xf32, #tpu.memory_space<hbm>> -> memref<128x128xf32, #tpu.memory_space<hbm>>
    %dma_wait3A_157 = arith.constant 128 : i32
    %dma_wait3A_158 = arith.constant 0 : i32
    %dma_wait3A_159 = tpu.memref_slice %arg6[%dma_wait3A_157, %dma_wait3A_158] : memref<640x128xf32, #tpu.memory_space<vmem>> -> memref<128x128xf32, #tpu.memory_space<vmem>>
    tpu.wait_dma2 semaphore(%arg8 : memref<!tpu.dma_semaphore, #tpu.memory_space<semaphore_mem>>) src(%dma_wait3A_159 : memref<128x128xf32, #tpu.memory_space<vmem>>) dst(%dma_wait3A_156 : memref<128x128xf32, #tpu.memory_space<hbm>>)
    %dma_wait3A_160 = arith.constant 256 : i32
    %dma_wait3A_161 = arith.constant 0 : i32
    %dma_wait3A_162 = tpu.memref_slice %arg6[%dma_wait3A_160, %dma_wait3A_161] : memref<640x128xf32, #tpu.memory_space<vmem>> -> memref<128x128xf32, #tpu.memory_space<vmem>>
    %dma_wait3A_163 = arith.constant 0 : i32
    %dma_wait3A_164 = tpu.memref_slice %arg4[%add3A_89, %dma_wait3A_163] : memref<10000x128xf32, #tpu.memory_space<hbm>> -> memref<128x128xf32, #tpu.memory_space<hbm>>
    %dma_wait3A_165 = arith.constant 0 : i32
    %dma_wait3A_166 = tpu.memref_slice %arg4[%add3A_89, %dma_wait3A_165] : memref<10000x128xf32, #tpu.memory_space<hbm>> -> memref<128x128xf32, #tpu.memory_space<hbm>>
    %dma_wait3A_167 = arith.constant 256 : i32
    %dma_wait3A_168 = arith.constant 0 : i32
    %dma_wait3A_169 = tpu.memref_slice %arg6[%dma_wait3A_167, %dma_wait3A_168] : memref<640x128xf32, #tpu.memory_space<vmem>> -> memref<128x128xf32, #tpu.memory_space<vmem>>
    tpu.wait_dma2 semaphore(%arg8 : memref<!tpu.dma_semaphore, #tpu.memory_space<semaphore_mem>>) src(%dma_wait3A_169 : memref<128x128xf32, #tpu.memory_space<vmem>>) dst(%dma_wait3A_166 : memref<128x128xf32, #tpu.memory_space<hbm>>)
    %dma_wait3A_170 = arith.constant 384 : i32
    %dma_wait3A_171 = arith.constant 0 : i32
    %dma_wait3A_172 = tpu.memref_slice %arg6[%dma_wait3A_170, %dma_wait3A_171] : memref<640x128xf32, #tpu.memory_space<vmem>> -> memref<128x128xf32, #tpu.memory_space<vmem>>
    %dma_wait3A_173 = arith.constant 0 : i32
    %dma_wait3A_174 = tpu.memref_slice %arg4[%add3A_109, %dma_wait3A_173] : memref<10000x128xf32, #tpu.memory_space<hbm>> -> memref<128x128xf32, #tpu.memory_space<hbm>>
    %dma_wait3A_175 = arith.constant 0 : i32
    %dma_wait3A_176 = tpu.memref_slice %arg4[%add3A_109, %dma_wait3A_175] : memref<10000x128xf32, #tpu.memory_space<hbm>> -> memref<128x128xf32, #tpu.memory_space<hbm>>
    %dma_wait3A_177 = arith.constant 384 : i32
    %dma_wait3A_178 = arith.constant 0 : i32
    %dma_wait3A_179 = tpu.memref_slice %arg6[%dma_wait3A_177, %dma_wait3A_178] : memref<640x128xf32, #tpu.memory_space<vmem>> -> memref<128x128xf32, #tpu.memory_space<vmem>>
    tpu.wait_dma2 semaphore(%arg8 : memref<!tpu.dma_semaphore, #tpu.memory_space<semaphore_mem>>) src(%dma_wait3A_179 : memref<128x128xf32, #tpu.memory_space<vmem>>) dst(%dma_wait3A_176 : memref<128x128xf32, #tpu.memory_space<hbm>>)
    %dma_wait3A_180 = arith.constant 512 : i32
    %dma_wait3A_181 = arith.constant 0 : i32
    %dma_wait3A_182 = tpu.memref_slice %arg6[%dma_wait3A_180, %dma_wait3A_181] : memref<640x128xf32, #tpu.memory_space<vmem>> -> memref<128x128xf32, #tpu.memory_space<vmem>>
    %dma_wait3A_183 = arith.constant 0 : i32
    %dma_wait3A_184 = tpu.memref_slice %arg4[%add3A_129, %dma_wait3A_183] : memref<10000x128xf32, #tpu.memory_space<hbm>> -> memref<128x128xf32, #tpu.memory_space<hbm>>
    %dma_wait3A_185 = arith.constant 0 : i32
    %dma_wait3A_186 = tpu.memref_slice %arg4[%add3A_129, %dma_wait3A_185] : memref<10000x128xf32, #tpu.memory_space<hbm>> -> memref<128x128xf32, #tpu.memory_space<hbm>>
    %dma_wait3A_187 = arith.constant 512 : i32
    %dma_wait3A_188 = arith.constant 0 : i32
    %dma_wait3A_189 = tpu.memref_slice %arg6[%dma_wait3A_187, %dma_wait3A_188] : memref<640x128xf32, #tpu.memory_space<vmem>> -> memref<128x128xf32, #tpu.memory_space<vmem>>
    tpu.wait_dma2 semaphore(%arg8 : memref<!tpu.dma_semaphore, #tpu.memory_space<semaphore_mem>>) src(%dma_wait3A_189 : memref<128x128xf32, #tpu.memory_space<vmem>>) dst(%dma_wait3A_186 : memref<128x128xf32, #tpu.memory_space<hbm>>)
    return
  }
}

module attributes {stable_mosaic.version = 14 : i64} {
  func.func @_mm_body(%arg0: i32, %arg1: memref<5000x128xf32, #tpu.memory_space<vmem>>, %arg2: memref<128x128xf32, #tpu.memory_space<vmem>>, %arg3: memref<5000x128xf32, #tpu.memory_space<vmem>>) attributes {dimension_semantics = [#tpu.dimension_semantics<arbitrary>], iteration_bounds = array<i64: 2>, scalar_prefetch = 0 : i64, scratch_operands = 0 : i64, tpu.core_type = #tpu.core_type<tc>, window_params = [{transform_indices = @transform_0, window_bounds = array<i64: 5000, 128>}, {pipeline_mode = #tpu.pipeline_mode<synchronous>, transform_indices = @transform_1, window_bounds = array<i64: 128, 128>}, {transform_indices = @transform_2, window_bounds = array<i64: 5000, 128>}]} {
    %get3A = arith.constant 0 : index
    %get3A_0 = arith.constant 0 : index
    %get3A_1 = vector.load %arg1[%get3A, %get3A_0] : memref<5000x128xf32, #tpu.memory_space<vmem>>, vector<5000x128xf32>
    %get3A_2 = arith.constant 0 : index
    %get3A_3 = arith.constant 0 : index
    %get3A_4 = vector.load %arg2[%get3A_2, %get3A_3] : memref<128x128xf32, #tpu.memory_space<vmem>>, vector<128x128xf32>
    %dot_general3A = arith.constant dense<0.000000e+00> : vector<5000x128xf32>
    %dot_general3A_5 = tpu.matmul %get3A_1, %get3A_4, %dot_general3A {dimension_numbers = #tpu.dot_dimension_numbers<[1], [0], [0], [1], [0, 0, 1, 1], [], []>, transpose_lhs_hint = false} : vector<5000x128xf32>, vector<128x128xf32>, vector<5000x128xf32> -> vector<5000x128xf32>
    %swap3A = arith.constant 0 : index
    %swap3A_6 = arith.constant 0 : index
    %swap3A_7 = vector.load %arg3[%swap3A, %swap3A_6] : memref<5000x128xf32, #tpu.memory_space<vmem>>, vector<5000x128xf32>
    tpu.vector_store %arg3[%swap3A, %swap3A_6], %dot_general3A_5 {strides = array<i32>} : memref<5000x128xf32, #tpu.memory_space<vmem>>, vector<5000x128xf32>,
    return
  }
  func.func @transform_0(%arg0: i32) -> (i32, i32) {
    %c0_i32 = arith.constant 0 : i32
    %c0_i32_0 = arith.constant 0 : i32
    return %arg0, %c0_i32 : i32, i32
  }
  func.func @transform_1(%arg0: i32) -> (i32, i32) {
    %c0_i32 = arith.constant 0 : i32
    %c0_i32_0 = arith.constant 0 : i32
    %c0_i32_1 = arith.constant 0 : i32
    return %c0_i32, %c0_i32_0 : i32, i32
  }
  func.func @transform_2(%arg0: i32) -> (i32, i32) {
    %c0_i32 = arith.constant 0 : i32
    %c0_i32_0 = arith.constant 0 : i32
    return %arg0, %c0_i32 : i32, i32
  }
}

</mosaic_0001>

<sc_bundles>
// kernel: kernel.4.cloned.1.call-start
scs
__scs_entry_jumppad:
0x0: {  	(pc) =	sbr.rel $0x88, $3  }
0x1: {  	(tag) =	ssettag $0x0;
	lr =	simm.s32 $0x1  }
0x2: {  	[smem:$0x3F9E] =	sst lr;
	_ =	strace $0xD0000000  }
0x3: {  	_ = 	snop  }
0x4: {  	_ = 	snop  }
0x5: {  	_ = 	snop  }
0x6: {  	_ = 	snop  }
0x7: {  	_ = 	snop  }
__scs_overlays_trampoline_lowered:
0x8: {  	[smem:$0x3FAD] =	sst s0  }
0x9: {  	[smem:$0x3FAE] =	sst s1  }
0xa: {  	[smem:$0x3FAF] =	sst s2  }
0xb: {  	[smem:$0x3FB0] =	sst s3  }
0xc: {  	[smem:$0x3FB1] =	sst s4  }
0xd: {  	[smem:$0x3FB2] =	sst s5  }
0xe: {  	[smem:$0x3FB3] =	sst s6  }
0xf: {  	[smem:$0x3FB4] =	sst s7  }
0x10: {  	[smem:$0x3FB5] =	sst s8  }
0x11: {  	[smem:$0x3FB6] =	sst s9;
	s0 =	simm.s32 @!p0 $0x0  }
0x12: {  	s1 =	sld [smem:$0x3F9C];
	s0 =	simm.s32 @p0 $0x1  }
0x13: {  	[smem:$0x3FB7] =	sst s0;
	s0 =	simm.s32 @!p1 $0x0  }
0x14: {  	s2 =	sld [smem:$0x3F9B];
	s0 =	simm.s32 @p1 $0x1  }
0x15: {  	[smem:$0x3FB8] =	sst s0;
	s0 =	simm.s32 @!p2 $0x0  }
0x16: {  	s3 =	sld [smem:$0x3FDB];
	s0 =	simm.s32 @p2 $0x1  }
0x17: {  	s4 =	simm.s32 $0x1BF5;
	[smem:$0x3FBA] =	sst s0  }
0x18: {  	s0 =	sld [smem:$0x3F9D];
	_ =	swait.ge [sflag:s4], $0x0  }
0x19: {  	s7 =	sld [smem:$0x3F9E]  }
0x1a: {  	s8 =	sadd.s32 $0xFFFFE003, lr  }
0x1b: {  	s9 =	sadd.s32 $0xFFFFFEF7, lr;
	s5 =	simm.s32 $0xFFFFFFFF;
	p2 =	slt.u32 s8, $0xFFFFF086  }
0x1c: {  	p1 =	slt.u32 s9, $0xF7A;
	s5 =	simm.s32 @!p2 $0x0  }
0x1d: {  	s5 =	simm.s32 @p1 $0x1;
	p0 =	seq.s32 s7, s2  }
0x1e: {  	s7 =	smul.u32 @!p0 $0xF7A, s2;
	p2 =	seq.s32 @!p0 s5, $0x0  }
0x1f: {  	s9 =	smul.u32 $0xF7A, s1;
	s8 =	simm.s32 @!p0 $0x1BF5;
	p2 =	por !p2, p0  }
0x20: {  	[sflag:s8] =	ssyncset.s32 @!p0 $0xFFFFF086;
	s6 =	sadd.s32 @!p0 s3, s7;
	s7 =	simm.s32 @!p0 $0x108  }
0x21: {  	s3 =	sadd.s32 s3, s9;
	s6 =	sadd.s32 @!p0 $0x88, s6;
	s7 =	simm.s32 @p2 $0x1082  }
0x22: {  	[simem:s7], [sflag:s8] =	dma.local @!p0 [hbm:s6], $0xF7A  }
0x23: {  	s9 =	sor.u32 $0xD0000000, s2;
	s6 =	simm.s32 $0x108;
	_ =	swait.ge @!p0 [sflag:s8], $0x0  }
0x24: {  	s3 =	sadd.s32 $0x88, s3;
	s6 =	simm.s32 @!p1 $0x1082;
	[sflag:s4] =	ssyncset.s32 $0xFFFFF086  }
0x25: {  	[simem:s6], [sflag:s4] =	dma.local [hbm:s3], $0xF7A  }
0x26: {  	[smem:$0x3F9E] =	sst s1;
	(tag) =	ssettag s2;
	_ =	strace s9  }
0x27: {  	s1 =	sld [smem:$0x3FAE]  }
0x28: {  	s2 =	sld [smem:$0x3FAF]  }
0x29: {  	s4 =	sld [smem:$0x3FB1]  }
0x2a: {  	p0 =	seq.s32 s5, $0x0;
	s5 =	sld [smem:$0x3FB2]  }
0x2b: {  	s6 =	sld [smem:$0x3FB3]  }
0x2c: {  	s7 =	sld [smem:$0x3FB4]  }
0x2d: {  	s3 =	simm.s32 $0x108;
	s8 =	sld [smem:$0x3FB5]  }
0x2e: {  	s3 =	simm.s32 @!p0 $0x1082;
	s9 =	sld [smem:$0x3FB6]  }
0x2f: {  	lr =	sadd.s32 s0, s3;
	s0 =	sld [smem:$0x3FAD]  }
0x30: {  	s3 =	sld [smem:$0x3FB0]  }
0x31: {  	[smem:$0x3FB9] =	sst s10  }
0x32: {  	s10 =	sld [smem:$0x3FB7];
	_ =	sdelay $0x3  }
0x33: {  	p0 =	seq.s32 s10, $0x1;
	s10 =	sld [smem:$0x3FB9];
	_ =	sdelay $0x3  }
0x34: {  	[smem:$0x3FB9] =	sst s10  }
0x35: {  	s10 =	sld [smem:$0x3FB8];
	_ =	sdelay $0x3  }
0x36: {  	p1 =	seq.s32 s10, $0x1;
	s10 =	sld [smem:$0x3FB9];
	_ =	sdelay $0x3  }
0x37: {  	[smem:$0x3FB9] =	sst s10  }
0x38: {  	s10 =	sld [smem:$0x3FBA]  }
0x39: {  	_ = 	snop;
	(pc) =	sbr.ind lr, $3  }
0x3a: {  	_ = 	snop  }
0x3b: {  	_ = 	snop  }
0x3c: {  	p2 =	seq.s32 s10, $0x1;
	s10 =	sld [smem:$0x3FB9]  }
0x3d: {  	_ =	shalt  }
0x3e: {  	_ =	shalt  }
0x3f: {  	_ =	shalt  }
0x40: {  	_ =	shalt  }
0x41: {  	_ =	shalt  }
0x42: {  	_ =	shalt  }
0x43: {  	_ =	shalt  }
0x44: {  	_ =	shalt  }
0x45: {  	_ =	shalt  }
0x46: {  	_ =	shalt  }
0x47: {  	_ =	shalt  }
0x48: {  	_ =	shalt  }
0x49: {  	_ =	shalt  }
0x4a: {  	_ =	shalt  }
0x4b: {  	_ =	shalt  }
0x4c: {  	_ =	shalt  }
0x4d: {  	_ =	shalt  }
0x4e: {  	_ =	shalt  }
0x4f: {  	_ =	shalt  }
0x50: {  	_ =	shalt  }
0x51: {  	_ =	shalt  }
0x52: {  	_ =	shalt  }
0x53: {  	_ =	shalt  }
0x54: {  	_ =	shalt  }
0x55: {  	_ =	shalt  }
0x56: {  	_ =	shalt  }
0x57: {  	_ =	shalt  }
0x58: {  	_ =	shalt  }
0x59: {  	_ =	shalt  }
0x5a: {  	_ =	shalt  }
0x5b: {  	_ =	shalt  }
0x5c: {  	_ =	shalt  }
0x5d: {  	_ =	shalt  }
0x5e: {  	_ =	shalt  }
0x5f: {  	_ =	shalt  }
0x60: {  	_ =	shalt  }
0x61: {  	_ =	shalt  }
0x62: {  	_ =	shalt  }
0x63: {  	_ =	shalt  }
0x64: {  	_ =	shalt  }
0x65: {  	_ =	shalt  }
0x66: {  	_ =	shalt  }
0x67: {  	_ =	shalt  }
0x68: {  	_ =	shalt  }
0x69: {  	_ =	shalt  }
0x6a: {  	_ =	shalt  }
0x6b: {  	_ =	shalt  }
0x6c: {  	_ =	shalt  }
0x6d: {  	_ =	shalt  }
0x6e: {  	_ =	shalt  }
0x6f: {  	_ =	shalt  }
0x70: {  	_ =	shalt  }
0x71: {  	_ =	shalt  }
0x72: {  	_ =	shalt  }
0x73: {  	_ =	shalt  }
0x74: {  	_ =	shalt  }
0x75: {  	_ =	shalt  }
0x76: {  	_ =	shalt  }
0x77: {  	_ =	shalt  }
0x78: {  	_ =	shalt  }
0x79: {  	_ =	shalt  }
0x7a: {  	_ =	shalt  }
0x7b: {  	_ =	shalt  }
0x7c: {  	_ =	shalt  }
0x7d: {  	_ =	shalt  }
0x7e: {  	_ =	shalt  }
0x7f: {  	_ =	shalt  }
0x80: {  	_ =	shalt  }
0x81: {  	_ =	shalt  }
0x82: {  	_ =	shalt  }
0x83: {  	_ =	shalt  }
0x84: {  	_ =	shalt  }
0x85: {  	_ =	shalt  }
0x86: {  	_ =	shalt  }
0x87: {  	_ =	shalt  }
.Lfunc_end0:
.L_simem_size_0:
called_computation_lowered:
.L_overlay_start_0:
0x88: {  	s0 =	sld [smem:$0x3FD9]  }
0x89: {  	s1 =	sld [smem:$0x3FFE];
	_ =	sdelay $0x3  }
0x8a: {  	s0 =	sadd.s32 s1, s0  }
0x8b: {  	[smem:$0x3FC5] =	sst s0  }
0x8c: {  	_ = 	snop  }
0x8d: {  	s0 =	sld [smem:$0x3FD0];
	(tm) =	ssettm $0x1  }
0x8e: {  	s16 =	sld [smem:$0x3FFB];
	_ =	sdelay $0x3  }
0x8f: {  	_ =	strace s16  }
0x90: {  	s1 =	sld [smem:$0x3FFC];
	_ =	sdelay $0x3  }
0x91: {  	_ =	strace s1  }
0x92: {  	s1 =	sld [smem:$0x3FFD];
	_ =	sdelay $0x3  }
0x93: {  	_ =	strace s1  }
0x94: {  	_ =	strace $0x8FFFFFFF  }
0x95: {  	s17 =	sld [smem:$0x3FDB];
	_ =	sdelay $0x1  }
0x96: {  	s2 =	simm.s32 $_scs_section_size  }
0x97: {  	s3 =	simm.s32 $_size__tile_overlayer_lowered;
	s4 =	simm.s32 $_tile_overlayer_lowered  }
0x98: {  	s20 =	simm.s32 $0x1BFF;
	s19 =	sshll.u32 s4, $0x1;
	s1 =	sadd.s32 s2, s17  }
0x99: {  	s5 =	simm.s32 $0x0;
	s18 =	sshll.u32 s3, $0x1;
	s3 =	sadd.s32 s19, s1  }
0x9a: {  	[timem:s5], [sflag:s20] =	dma.local [hbm:s3], s18  }
0x9b: {  	_ =	swait.ge [sflag:s20], s18  }
0x9c: {  	s2 =	ssub.s32 $0x0, s18;
	[sflag:s20] =	ssyncset.done $0x0  }
0x9d: {  	[sflag:s20] =	ssyncadd.s32 s2;
	_ =	sdelay $0x1  }
0x9e: {  	s21 =	simm.s32 $0x1B8B  }
0x9f: {  	_ =	swait.ge [sflag:s21], $0x1  }
0xa0: {  	[sflag:s21] =	ssyncset.done $0x0  }
0xa1: {  	s23 =	simm.s32 $0x1B8E;
	s22 =	sld [smem:$0x3FFE];
	[sflag:s21] =	ssyncadd.s32 $0xFFFFFFFF  }
0xa2: {  	s24 =	simm.s32 $execute0_lowered;
	[smem:$0x3FD2] =	sst s23  }
0xa3: {  	s3 =	sshll.u32 s24, $0x1;
	_ =	strace $0x80000046;
	[dreg:$0x1] =	wrdreg $0xFFFFFFFF  }
0xa4: {  	s25 =	simm.s32 $_size_execute0_lowered;
	s1 =	sadd.s32 s1, s3;
	[dreg:$0x0] =	wrdreg $0x0  }
0xa5: {  	s3 =	sshll.u32 s25, $0x1;
	[dreg:$0x2] =	wrdreg s1  }
0xa6: {  	[dreg:$0x3] =	wrdreg s3  }
0xa7: {  	[dreg:$0x4] =	wrdreg $0xC0  }
0xa8: {  	_ =	task [dreg:s5], $0x5FFFF  }
0xa9: {  	[dreg:$0x1] =	wrdreg $0xFFFFFFFF  }
0xaa: {  	[dreg:$0x0] =	wrdreg $0x60  }
0xab: {  	[dreg:$0x2] =	wrdreg s22  }
0xac: {  	[dreg:$0x3] =	wrdreg s0  }
0xad: {  	[dreg:$0x4] =	wrdreg $0x9  }
0xae: {  	_ =	task.clear_ibuf [dreg:s5], $0x5FFFF;
	_ =	strace $0x90000046  }
0xaf: {  	s26 =	simm.s32 $0x9;
	_ =	strace $0x80000048  }
0xb0: {  	_ =	swait.ge [sflag:s26], $0x1  }
0xb1: {  	[sflag:s26] =	ssyncadd.s32 $0xFFFFFFFF  }
0xb2: {  	_ =	strace $0x90000048  }
0xb3: {  	_ =	sfence  }
0xb4: {  	s28 =	sld [smem:$0x0];
	_ =	sdelay $0x1  }
0xb5: {  	s29 =	srdreg.scid  }
0xb6: {  	s30 =	sshll.u32 s29, $0xD;
	s31 =	sshrl.u32 s29, $0x2  }
0xb7: {  	s2 =	sand.u32 $0x4000, s30;
	s1 =	sand.u32 $0x1, s29;
	s0 =	sadd.s32 s31, s28  }
0xb8: {  	s1 =	sor.u32 s2, s1;
	s0 =	sshll.u32 s0, $0x11  }
0xb9: {  	s0 =	sor.u32 s0, s1  }
0xba: {  	s0 =	sadd.s32 $0x8F2B, s0  }
0xbb: {  	[sflag:s0] =	ssyncadd.remote.s32 $0x1  }
0xbc: {  	_ =	sfence.sel $0xFFFF  }
0xbd: {  	[dreg:$0x0] =	wrdreg $0xFFFFFFFF;
	(pc) =	sbr.abs _section_cstart, $3  }
0xbe: {  	[dreg:$0x1] =	wrdreg $0xFFFFFFFF  }
0xbf: {  	_ =	task.clear_ibuf [dreg:s5], $0x2FFFF;
	_ =	strace $0x9FFFFFFF  }
0xc0: {  	(tm) =	ssettm $0x7FFFFFFF  }
0xc1: {  	_ =	shalt  }
tec
execute0_lowered:
.L_overlay_start_1:
0x0: {  	(tag) =	ssettag $0x1  }
0x1: {  	s0 =	stileid.u32  }
0x2: {  	s1 =	smul.u32 $0x280, s0;
	_ =	sdelay $0x1  }
0x3: {  	s2 =	rddreg [dreg:$0x0];
	s4 =	smin.u32 s1, $0x2490  }
0x4: {  	s3 =	rddreg [dreg:$0x1];
	s5 =	simm.s32 $0x0;
	s6 =	sshrl.u32 s4, $0x3  }
0x5: {  	s23 =	simm.s32 $0x3;
	[smem:$0x7FF] =	sst s5;
	s6 =	sadd.s32 s6, s2  }
0x6: {  	s1 =	rddreg [dreg:$0x2];
	_ =	strace $0x80000047;
	s6 =	sadd.s32 $0x600, s6  }
0x7: {  	[tilespmem:s5], [sflag:$0x3] =	stream.linear.gather [hbm4b:s6+s5], $0x280, $0x38;
	[tilespmem:$0x14280] =	vst v63  }
0x8: {  	_ =	swait.ge [sflag:s23], $0x280  }
0x9: {  	s24 =	simm.s32 $0x80;
	[sflag:s23] =	ssyncset.done $0x0  }
0xa: {  	s7 =	simm.s32 $0x280;
	s2 =	sadd.s32 $0xC00, s2;
	[sflag:s23] =	ssyncadd.s32 $0xFFFFFD80  }
0xb: {  	[tilespmem:s7], [sflag:$0x1] =	stream.indirect.gather [hbm4b:s2+s24], $0x80, s5, s24, $0xb8;
	[tilespmem:$0x14280] =	vst v63  }
0xc: {  	s8 =	simm.s32 $0x4280  }
0xd: {  	[tilespmem:s8], [sflag:$0x1] =	stream.indirect.gather [hbm4b:s2+s24], $0x80, s24, s24, $0xb8;
	[tilespmem:$0x14280] =	vst v63  }
0xe: {  	s9 =	simm.s32 $0x100;
	s10 =	simm.s32 $0x8280  }
0xf: {  	[tilespmem:s10], [sflag:$0x1] =	stream.indirect.gather [hbm4b:s2+s24], $0x80, s9, s24, $0xb8;
	[tilespmem:$0x14280] =	vst v63  }
0x10: {  	s25 =	simm.s32 $0x180;
	s11 =	simm.s32 $0xC280  }
0x11: {  	[tilespmem:s11], [sflag:$0x1] =	stream.indirect.gather [hbm4b:s2+s24], $0x80, s25, s24, $0xb8;
	[tilespmem:$0x14280] =	vst v63  }
0x12: {  	s26 =	simm.s32 $0x200;
	s12 =	simm.s32 $0x10280;
	s28 =	simm.s32 $0x1  }
0x13: {  	[tilespmem:s12], [sflag:$0x1] =	stream.indirect.gather [hbm4b:s2+s24], $0x80, s26, s24, $0xb8;
	[tilespmem:$0x14280] =	vst v63  }
0x14: {  	_ =	swait.ge [sflag:s28], $0x4000  }
0x15: {  	s4 =	sshll.u32 s4, $0x4;
	[sflag:s28] =	ssyncset.done $0x0  }
0x16: {  	s3 =	sadd.s32 s3, s4;
	[sflag:s28] =	ssyncadd.s32 $0xFFFFC000  }
0x17: {  	[hbm4b:s3+s5] =	stream.linear.scatter [tilespmem:s7], [sflag:$0x2], $0x4000, $0x38;
	[tilespmem:$0x14280] =	vst v63  }
0x18: {  	_ =	swait.ge [sflag:s28], $0x4000  }
0x19: {  	[sflag:s28] =	ssyncset.done $0x0  }
0x1a: {  	s4 =	sadd.s32 $0x800, s3;
	[sflag:s28] =	ssyncadd.s32 $0xFFFFC000  }
0x1b: {  	[hbm4b:s4+s5] =	stream.linear.scatter [tilespmem:s8], [sflag:$0x2], $0x4000, $0x38;
	[tilespmem:$0x14280] =	vst v63  }
0x1c: {  	_ =	swait.ge [sflag:s28], $0x4000  }
0x1d: {  	[sflag:s28] =	ssyncset.done $0x0  }
0x1e: {  	s29 =	sadd.s32 $0x1000, s3;
	[sflag:s28] =	ssyncadd.s32 $0xFFFFC000  }
0x1f: {  	[hbm4b:s29+s5] =	stream.linear.scatter [tilespmem:s10], [sflag:$0x2], $0x4000, $0x38;
	[tilespmem:$0x14280] =	vst v63  }
0x20: {  	_ =	swait.ge [sflag:s28], $0x4000  }
0x21: {  	[sflag:s28] =	ssyncset.done $0x0  }
0x22: {  	s30 =	sadd.s32 $0x1800, s3;
	[sflag:s28] =	ssyncadd.s32 $0xFFFFC000  }
0x23: {  	[hbm4b:s30+s5] =	stream.linear.scatter [tilespmem:s11], [sflag:$0x2], $0x4000, $0x38;
	[tilespmem:$0x14280] =	vst v63  }
0x24: {  	_ =	swait.ge [sflag:s28], $0x4000  }
0x25: {  	[sflag:s28] =	ssyncset.done $0x0  }
0x26: {  	s31 =	simm.s32 $0x2;
	s3 =	sadd.s32 $0x2000, s3;
	[sflag:s28] =	ssyncadd.s32 $0xFFFFC000  }
0x27: {  	[hbm4b:s3+s5] =	stream.linear.scatter [tilespmem:s12], [sflag:$0x2], $0x4000, $0x38;
	[tilespmem:$0x14280] =	vst v63  }
0x28: {  	_ =	swait.ge [sflag:s31], $0x4000  }
0x29: {  	[sflag:s31] =	ssyncset.done $0x0  }
0x2a: {  	[sflag:s31] =	ssyncadd.s32 $0xFFFFC000  }
0x2b: {  	_ =	swait.ge [sflag:s31], $0x4000  }
0x2c: {  	[sflag:s31] =	ssyncset.done $0x0  }
0x2d: {  	[sflag:s31] =	ssyncadd.s32 $0xFFFFC000  }
0x2e: {  	_ =	swait.ge [sflag:s31], $0x4000  }
0x2f: {  	[sflag:s31] =	ssyncset.done $0x0  }
0x30: {  	[sflag:s31] =	ssyncadd.s32 $0xFFFFC000  }
0x31: {  	_ =	swait.ge [sflag:s31], $0x4000  }
0x32: {  	[sflag:s31] =	ssyncset.done $0x0  }
0x33: {  	[sflag:s31] =	ssyncadd.s32 $0xFFFFC000  }
0x34: {  	_ =	swait.ge [sflag:s31], $0x4000  }
0x35: {  	[sflag:s31] =	ssyncset.done $0x0  }
0x36: {  	[sflag:s31] =	ssyncadd.s32 $0xFFFFC000  }
0x37: {  	_ =	sfence.sel $0x180000  }
0x38: {  	[bflag:$0x0] =	sbarrier.arrive $0xFFFF  }
0x39: {  	p0 =	sne.s32 s0, $0x0;
	_ =	strace $0x90000047  }
0x3a: {  	s0 =	sadd.s32 @!p0 $0x100000, s1;
	[bflag:$0x2] =	sbarrier.arrive $0xFFFF  }
0x3b: {  	[sflag:s0] =	ssyncadd.tile.s32 @!p0 $0x1;
	_ =	shalt  }
.Lfunc_end2:
_tile_overlayer_lowered:
.L_overlay_start_2:
0x3c: {  	(tag) =	ssettag $0x2  }
0x3d: {  	s0 =	rddreg [dreg:$0x0];
	s2 =	stileid.u32  }
0x3e: {  	s1 =	rddreg [dreg:$0x1];
	p0 =	sne.s32 s2, $0x0  }
0x3f: {  	s3 =	rddreg [dreg:$0x2];
	[bflag:$0x3] =	sbarrier.arrive $0xFFFF;
	s2 =	simm.s32 @!p0 $0x1C03  }
0x40: {  	[timem:s3], [sflag:s2] =	dma.local @!p0 [hbm:s0], s1  }
0x41: {  	s0 =	simm.s32 @!p0 $0x3  }
0x42: {  	_ =	swait.ge @!p0 [sflag:s0], s1  }
0x43: {  	s1 =	ssub.s32 @!p0 $0x0, s1;
	[sflag:s0] =	ssyncset.done @!p0 $0x0  }
0x44: {  	[sflag:s0] =	ssyncadd.s32 @!p0 s1  }
0x45: {  	[bflag:$0x3] =	sbarrier.arrive $0xFFFF  }
0x46: {  	_ =	shalt  }

</sc_bundles>
